<compile_context>
chip_gen: v7x
topology: tpu7x:2x2x1
jax: 0.10.2.dev20260603
libtpu: 0.0.44.dev20260713+nightly
codegen_flags: <defaults>
</compile_context>

<pallas_src>
import functools

import jax
import jax.numpy as jnp
from jax import lax
from jax.experimental import pallas as pl
from jax.experimental.pallas import tpu as pltpu
from jax.experimental.pallas import tpu_sc as plsc

BATCH = 16384
EMB = 128
NC, NS = 2, 16
NW = NC * NS
B_PER_W = BATCH // NW

MLP_BLK = 4096
N_BLK = BATCH // MLP_BLK


def _sc_gather_body(u_hbm, i_hbm, uidx_hbm, iidx_hbm, ulat_hbm, ilat_hbm,
                    idx_v, rows_v, sem):
    wid = lax.axis_index("s") * NC + lax.axis_index("c")
    base = wid * B_PER_W
    pltpu.sync_copy(uidx_hbm.at[pl.ds(base, B_PER_W)], idx_v)
    pltpu.async_copy(u_hbm.at[idx_v], rows_v, sem).wait()
    pltpu.sync_copy(rows_v, ulat_hbm.at[pl.ds(base, B_PER_W)])
    pltpu.sync_copy(iidx_hbm.at[pl.ds(base, B_PER_W)], idx_v)
    pltpu.async_copy(i_hbm.at[idx_v], rows_v, sem).wait()
    pltpu.sync_copy(rows_v, ilat_hbm.at[pl.ds(base, B_PER_W)])


@functools.cache
def _sc_gather():
    return pl.kernel(
        _sc_gather_body,
        out_type=[
            jax.ShapeDtypeStruct((BATCH, EMB), jnp.float32),
            jax.ShapeDtypeStruct((BATCH, EMB), jnp.float32),
        ],
        mesh=plsc.VectorSubcoreMesh(core_axis_name="c", subcore_axis_name="s",
                                    num_cores=NC, num_subcores=NS),
        scratch_types=[
            pltpu.VMEM((B_PER_W,), jnp.int32),
            pltpu.VMEM((B_PER_W, EMB), jnp.float32),
            pltpu.SemaphoreType.DMA,
        ],
    )


def _mlp_body(u_ref, i_ref, w1_ref, b1_ref, w2_ref, b2_ref,
              w3_ref, b3_ref, w4_ref, b4_ref, wp_ref, bp_ref, out_ref):
    bf = jnp.bfloat16
    f32 = jnp.float32
    dot_bt = functools.partial(lax.dot_general,
                               dimension_numbers=(((1,), (1,)), ((), ())),
                               preferred_element_type=f32)
    dot_ff = functools.partial(lax.dot_general,
                               dimension_numbers=(((1,), (0,)), ((), ())),
                               preferred_element_type=f32)
    relu_bf = lambda x, b: jnp.maximum(x + b, 0).astype(bf)
    w1 = w1_ref[...].astype(bf)
    cat = jnp.concatenate([u_ref[...], i_ref[...]], axis=1).astype(bf)
    v = relu_bf(dot_bt(w1, cat), b1_ref[...])
    v = relu_bf(dot_ff(w2_ref[...].astype(bf), v), b2_ref[...])
    v = relu_bf(dot_ff(w3_ref[...].astype(bf), v), b3_ref[...])
    v = relu_bf(dot_ff(w4_ref[...].astype(bf), v), b4_ref[...])
    pred = lax.dot_general(wp_ref[...].astype(bf), v,
                           dimension_numbers=(((1,), (0,)), ((), ())),
                           preferred_element_type=f32)
    out_ref[...] = jax.nn.sigmoid(pred + bp_ref[...])[None]


def _mlp(ulat, ilat, w1, b1, w2, b2, w3, b3, w4, b4, wp, bp):
    full = lambda shape: pl.BlockSpec(shape, lambda i: (0,) * len(shape))
    return pl.pallas_call(
        _mlp_body,
        grid=(N_BLK,),
        in_specs=[
            pl.BlockSpec((MLP_BLK, EMB), lambda i: (i, 0)),
            pl.BlockSpec((MLP_BLK, EMB), lambda i: (i, 0)),
            full(w1.shape), full(b1.shape),
            full(w2.shape), full(b2.shape),
            full(w3.shape), full(b3.shape),
            full(w4.shape), full(b4.shape),
            full(wp.shape), full(bp.shape),
        ],
        out_specs=pl.BlockSpec((1, 1, MLP_BLK), lambda i: (i, 0, 0)),
        out_shape=jax.ShapeDtypeStruct((N_BLK, 1, MLP_BLK), jnp.float32),
    )(ulat, ilat, w1, b1, w2, b2, w3, b3, w4, b4, wp, bp)


def kernel(user_input, item_input, U_emb, I_emb,
           W1, b1, W2, b2, W3, b3, W4, b4, Wp, bp):
    uidx = user_input.astype(jnp.int32)
    iidx = item_input.astype(jnp.int32)
    ulat, ilat = _sc_gather()(U_emb, I_emb, uidx, iidx)
    out = _mlp(ulat, ilat, W1, b1[:, None], W2, b2[:, None],
               W3, b3[:, None], W4, b4[:, None], Wp, bp[:, None])
    return out.reshape(BATCH)

# --- scband reference (transcript-rebuilt; emitter-appended) ---
"""Pipeline reference for scband-mlpmodel-35089882808650 (READ-ONLY COPY).

The authoritative reference and input builder live on the scoring server;
editing this copy changes nothing except your own understanding.
"""

import jax, jax.numpy as jnp
import numpy as np

NUM_USERS = 100000
NUM_ITEMS = 100000
BATCH = 16384
LAYERS = [256, 256, 128, 64]
EMB = LAYERS[0] // 2


def setup_inputs(seed: int = 0) -> dict:
    key = jax.random.key(seed)
    ks = jax.random.split(key, 16)
    inp = {}
    inp['user_input'] = jax.random.randint(ks[0], (BATCH,), 0, NUM_USERS, dtype=jnp.int64) if jax.config.jax_enable_x64 else jax.random.randint(ks[0], (BATCH,), 0, NUM_USERS, dtype=jnp.int32)
    inp['item_input'] = jax.random.randint(ks[1], (BATCH,), 0, NUM_ITEMS, dtype=jnp.int64) if jax.config.jax_enable_x64 else jax.random.randint(ks[1], (BATCH,), 0, NUM_ITEMS, dtype=jnp.int32)
    inp['U_emb'] = jax.random.normal(ks[2], (NUM_USERS, EMB), dtype=jnp.float32) * 0.05
    inp['I_emb'] = jax.random.normal(ks[3], (NUM_ITEMS, EMB), dtype=jnp.float32) * 0.05
    # fc layers: layer_sizes = [256, 256, 256, 128, 64]
    layer_sizes = [LAYERS[0]] + LAYERS
    for i in range(1, len(layer_sizes)):
        fan_in = layer_sizes[i - 1]
        fan_out = layer_sizes[i]
        bound = 1.0 / np.sqrt(fan_in)
        inp[f'W{i}'] = jax.random.uniform(ks[3 + 2 * i], (fan_out, fan_in), dtype=jnp.float32, minval=-bound, maxval=bound)
        inp[f'b{i}'] = jax.random.uniform(ks[4 + 2 * i], (fan_out,), dtype=jnp.float32, minval=-bound, maxval=bound)
    bound = 1.0 / np.sqrt(LAYERS[-1])
    inp['Wp'] = jax.random.uniform(ks[13], (1, LAYERS[-1]), dtype=jnp.float32, minval=-bound, maxval=bound)
    inp['bp'] = jax.random.uniform(ks[14], (1,), dtype=jnp.float32, minval=-bound, maxval=bound)
    return inp


def reference(user_input, item_input, U_emb, I_emb, W1, b1, W2, b2, W3, b3, W4, b4, Wp, bp):
    user_latent = jnp.take(U_emb, user_input, axis=0)
    item_latent = jnp.take(I_emb, item_input, axis=0)
    v = jnp.concatenate([user_latent, item_latent], axis=-1)
    for W, b in ((W1, b1), (W2, b2), (W3, b3), (W4, b4)):
        v = jax.nn.relu(v @ W.T + b)
    pred = (v @ Wp.T + bp).squeeze(-1)
    return jax.nn.sigmoid(pred)

if __name__ == "__main__":
    import jax
    _d = setup_inputs()
    print(jax.jit(kernel)(*tuple(_d.values())))

</pallas_src>

<mosaic_0001>
#map = affine_map<(d0, d1) -> (0, 0)>
#map1 = affine_map<(d0, d1) -> (0)>
module attributes {stable_mosaic.version = 14 : i64} {
  func.func @_sc_gather_body(%arg0: i32, %arg1: i32, %arg2: memref<100000x128xf32, #tpu.memory_space<hbm>>, %arg3: memref<100000x128xf32, #tpu.memory_space<hbm>>, %arg4: memref<16384xi32, #tpu.memory_space<hbm>>, %arg5: memref<16384xi32, #tpu.memory_space<hbm>>, %arg6: memref<16384x128xf32, #tpu.memory_space<hbm>>, %arg7: memref<16384x128xf32, #tpu.memory_space<hbm>>, %arg8: memref<512xi32, #tpu.memory_space<vmem>>, %arg9: memref<512x128xf32, #tpu.memory_space<vmem>>, %arg10: memref<!tpu.dma_semaphore, #tpu.memory_space<semaphore_mem>>) attributes {dimension_semantics = [#tpu.dimension_semantics<core_parallel>, #tpu.dimension_semantics<subcore_parallel>], iteration_bounds = array<i64: 2, 16>, scalar_prefetch = 0 : i64, scratch_operands = 3 : i64, tpu.core_type = #tpu.core_type<sc_vector_subcore>, window_params = [{transform_indices = #map}, {transform_indices = #map}, {transform_indices = #map1}, {transform_indices = #map1}, {transform_indices = #map}, {transform_indices = #map}]} {
    %mul3A = arith.constant 2 : i32
    %mul3A_0 = arith.muli %arg1, %mul3A : i32
    %add3A = arith.addi %mul3A_0, %arg0 : i32
    %mul3A_1 = arith.constant 512 : i32
    %mul3A_2 = arith.muli %add3A, %mul3A_1 : i32
    "tpu.region"() ({
      %run_scoped3A = tpu.sem_alloc : memref<!tpu.dma_semaphore, #tpu.memory_space<semaphore_mem>>
      %dma_start3A_13 = tpu.memref_slice %arg4[%mul3A_2] : memref<16384xi32, #tpu.memory_space<hbm>> -> memref<512xi32, #tpu.memory_space<hbm>>
      %dma_start3A_14 = tpu.memref_slice %arg4[%mul3A_2] : memref<16384xi32, #tpu.memory_space<hbm>> -> memref<512xi32, #tpu.memory_space<hbm>>
      tpu.enqueue_dma source(%dma_start3A_14 : memref<512xi32, #tpu.memory_space<hbm>>) target(%arg8 : memref<512xi32, #tpu.memory_space<vmem>>) target_semaphore(%run_scoped3A : memref<!tpu.dma_semaphore, #tpu.memory_space<semaphore_mem>>)
      %dma_wait3A_15 = tpu.memref_slice %arg4[%mul3A_2] : memref<16384xi32, #tpu.memory_space<hbm>> -> memref<512xi32, #tpu.memory_space<hbm>>
      %dma_wait3A_16 = tpu.memref_slice %arg4[%mul3A_2] : memref<16384xi32, #tpu.memory_space<hbm>> -> memref<512xi32, #tpu.memory_space<hbm>>
      tpu.wait_dma2 semaphore(%run_scoped3A : memref<!tpu.dma_semaphore, #tpu.memory_space<semaphore_mem>>) src(%dma_wait3A_16 : memref<512xi32, #tpu.memory_space<hbm>>) dst(%arg8 : memref<512xi32, #tpu.memory_space<vmem>>)
      tpu.yield
    }) : () -> ()
    %dma_start3A = arith.constant 0 : i32
    %dma_start3A_3 = arith.constant 0 : i32
    %dma_start3A_4 = tpu.memref_slice %arg2[%dma_start3A, %dma_start3A_3] : memref<100000x128xf32, #tpu.memory_space<hbm>> -> memref<100000x128xf32, #tpu.memory_space<hbm>>
    tpu.enqueue_indirect_dma source(%dma_start3A_4 : memref<100000x128xf32, #tpu.memory_space<hbm>>) target(%arg9 : memref<512x128xf32, #tpu.memory_space<vmem>>) offsets(%arg8 : memref<512xi32, #tpu.memory_space<vmem>>) semaphore(%arg10 : memref<!tpu.dma_semaphore, #tpu.memory_space<semaphore_mem>>)
    %dma_wait3A = arith.constant 0 : i32
    %dma_wait3A_5 = arith.constant 0 : i32
    %dma_wait3A_6 = tpu.memref_slice %arg2[%dma_wait3A, %dma_wait3A_5] : memref<100000x128xf32, #tpu.memory_space<hbm>> -> memref<100000x128xf32, #tpu.memory_space<hbm>>
    tpu.wait_indirect_dma semaphore(%arg10 : memref<!tpu.dma_semaphore, #tpu.memory_space<semaphore_mem>>) src(%dma_wait3A_6 : memref<100000x128xf32, #tpu.memory_space<hbm>>) dst(%arg9 : memref<512x128xf32, #tpu.memory_space<vmem>>)
    "tpu.region"() ({
      %run_scoped3A = tpu.sem_alloc : memref<!tpu.dma_semaphore, #tpu.memory_space<semaphore_mem>>
      %dma_start3A_13 = arith.constant 0 : i32
      %dma_start3A_14 = tpu.memref_slice %arg6[%mul3A_2, %dma_start3A_13] : memref<16384x128xf32, #tpu.memory_space<hbm>> -> memref<512x128xf32, #tpu.memory_space<hbm>>
      %dma_start3A_15 = arith.constant 0 : i32
      %dma_start3A_16 = tpu.memref_slice %arg6[%mul3A_2, %dma_start3A_15] : memref<16384x128xf32, #tpu.memory_space<hbm>> -> memref<512x128xf32, #tpu.memory_space<hbm>>
      tpu.enqueue_dma source(%arg9 : memref<512x128xf32, #tpu.memory_space<vmem>>) target(%dma_start3A_16 : memref<512x128xf32, #tpu.memory_space<hbm>>) target_semaphore(%run_scoped3A : memref<!tpu.dma_semaphore, #tpu.memory_space<semaphore_mem>>)
      %dma_wait3A_17 = arith.constant 0 : i32
      %dma_wait3A_18 = tpu.memref_slice %arg6[%mul3A_2, %dma_wait3A_17] : memref<16384x128xf32, #tpu.memory_space<hbm>> -> memref<512x128xf32, #tpu.memory_space<hbm>>
      %dma_wait3A_19 = arith.constant 0 : i32
      %dma_wait3A_20 = tpu.memref_slice %arg6[%mul3A_2, %dma_wait3A_19] : memref<16384x128xf32, #tpu.memory_space<hbm>> -> memref<512x128xf32, #tpu.memory_space<hbm>>
      tpu.wait_dma2 semaphore(%run_scoped3A : memref<!tpu.dma_semaphore, #tpu.memory_space<semaphore_mem>>) src(%arg9 : memref<512x128xf32, #tpu.memory_space<vmem>>) dst(%dma_wait3A_20 : memref<512x128xf32, #tpu.memory_space<hbm>>)
      tpu.yield
    }) : () -> ()
    "tpu.region"() ({
      %run_scoped3A = tpu.sem_alloc : memref<!tpu.dma_semaphore, #tpu.memory_space<semaphore_mem>>
      %dma_start3A_13 = tpu.memref_slice %arg5[%mul3A_2] : memref<16384xi32, #tpu.memory_space<hbm>> -> memref<512xi32, #tpu.memory_space<hbm>>
      %dma_start3A_14 = tpu.memref_slice %arg5[%mul3A_2] : memref<16384xi32, #tpu.memory_space<hbm>> -> memref<512xi32, #tpu.memory_space<hbm>>
      tpu.enqueue_dma source(%dma_start3A_14 : memref<512xi32, #tpu.memory_space<hbm>>) target(%arg8 : memref<512xi32, #tpu.memory_space<vmem>>) target_semaphore(%run_scoped3A : memref<!tpu.dma_semaphore, #tpu.memory_space<semaphore_mem>>)
      %dma_wait3A_15 = tpu.memref_slice %arg5[%mul3A_2] : memref<16384xi32, #tpu.memory_space<hbm>> -> memref<512xi32, #tpu.memory_space<hbm>>
      %dma_wait3A_16 = tpu.memref_slice %arg5[%mul3A_2] : memref<16384xi32, #tpu.memory_space<hbm>> -> memref<512xi32, #tpu.memory_space<hbm>>
      tpu.wait_dma2 semaphore(%run_scoped3A : memref<!tpu.dma_semaphore, #tpu.memory_space<semaphore_mem>>) src(%dma_wait3A_16 : memref<512xi32, #tpu.memory_space<hbm>>) dst(%arg8 : memref<512xi32, #tpu.memory_space<vmem>>)
      tpu.yield
    }) : () -> ()
    %dma_start3A_7 = arith.constant 0 : i32
    %dma_start3A_8 = arith.constant 0 : i32
    %dma_start3A_9 = tpu.memref_slice %arg3[%dma_start3A_7, %dma_start3A_8] : memref<100000x128xf32, #tpu.memory_space<hbm>> -> memref<100000x128xf32, #tpu.memory_space<hbm>>
    tpu.enqueue_indirect_dma source(%dma_start3A_9 : memref<100000x128xf32, #tpu.memory_space<hbm>>) target(%arg9 : memref<512x128xf32, #tpu.memory_space<vmem>>) offsets(%arg8 : memref<512xi32, #tpu.memory_space<vmem>>) semaphore(%arg10 : memref<!tpu.dma_semaphore, #tpu.memory_space<semaphore_mem>>)
    %dma_wait3A_10 = arith.constant 0 : i32
    %dma_wait3A_11 = arith.constant 0 : i32
    %dma_wait3A_12 = tpu.memref_slice %arg3[%dma_wait3A_10, %dma_wait3A_11] : memref<100000x128xf32, #tpu.memory_space<hbm>> -> memref<100000x128xf32, #tpu.memory_space<hbm>>
    tpu.wait_indirect_dma semaphore(%arg10 : memref<!tpu.dma_semaphore, #tpu.memory_space<semaphore_mem>>) src(%dma_wait3A_12 : memref<100000x128xf32, #tpu.memory_space<hbm>>) dst(%arg9 : memref<512x128xf32, #tpu.memory_space<vmem>>)
    "tpu.region"() ({
      %run_scoped3A = tpu.sem_alloc : memref<!tpu.dma_semaphore, #tpu.memory_space<semaphore_mem>>
      %dma_start3A_13 = arith.constant 0 : i32
      %dma_start3A_14 = tpu.memref_slice %arg7[%mul3A_2, %dma_start3A_13] : memref<16384x128xf32, #tpu.memory_space<hbm>> -> memref<512x128xf32, #tpu.memory_space<hbm>>
      %dma_start3A_15 = arith.constant 0 : i32
      %dma_start3A_16 = tpu.memref_slice %arg7[%mul3A_2, %dma_start3A_15] : memref<16384x128xf32, #tpu.memory_space<hbm>> -> memref<512x128xf32, #tpu.memory_space<hbm>>
      tpu.enqueue_dma source(%arg9 : memref<512x128xf32, #tpu.memory_space<vmem>>) target(%dma_start3A_16 : memref<512x128xf32, #tpu.memory_space<hbm>>) target_semaphore(%run_scoped3A : memref<!tpu.dma_semaphore, #tpu.memory_space<semaphore_mem>>)
      %dma_wait3A_17 = arith.constant 0 : i32
      %dma_wait3A_18 = tpu.memref_slice %arg7[%mul3A_2, %dma_wait3A_17] : memref<16384x128xf32, #tpu.memory_space<hbm>> -> memref<512x128xf32, #tpu.memory_space<hbm>>
      %dma_wait3A_19 = arith.constant 0 : i32
      %dma_wait3A_20 = tpu.memref_slice %arg7[%mul3A_2, %dma_wait3A_19] : memref<16384x128xf32, #tpu.memory_space<hbm>> -> memref<512x128xf32, #tpu.memory_space<hbm>>
      tpu.wait_dma2 semaphore(%run_scoped3A : memref<!tpu.dma_semaphore, #tpu.memory_space<semaphore_mem>>) src(%arg9 : memref<512x128xf32, #tpu.memory_space<vmem>>) dst(%dma_wait3A_20 : memref<512x128xf32, #tpu.memory_space<hbm>>)
      tpu.yield
    }) : () -> ()
    return
  }
}

module attributes {stable_mosaic.version = 14 : i64} {
  func.func @_mlp_body(%arg0: i32, %arg1: memref<4096x128xf32, #tpu.memory_space<vmem>>, %arg2: memref<4096x128xf32, #tpu.memory_space<vmem>>, %arg3: memref<256x256xf32, #tpu.memory_space<vmem>>, %arg4: memref<256x1xf32, #tpu.memory_space<vmem>>, %arg5: memref<256x256xf32, #tpu.memory_space<vmem>>, %arg6: memref<256x1xf32, #tpu.memory_space<vmem>>, %arg7: memref<128x256xf32, #tpu.memory_space<vmem>>, %arg8: memref<128x1xf32, #tpu.memory_space<vmem>>, %arg9: memref<64x128xf32, #tpu.memory_space<vmem>>, %arg10: memref<64x1xf32, #tpu.memory_space<vmem>>, %arg11: memref<1x64xf32, #tpu.memory_space<vmem>>, %arg12: memref<1x1xf32, #tpu.memory_space<vmem>>, %arg13: memref<1x1x4096xf32, #tpu.memory_space<vmem>>) attributes {dimension_semantics = [#tpu.dimension_semantics<arbitrary>], iteration_bounds = array<i64: 4>, scalar_prefetch = 0 : i64, scratch_operands = 0 : i64, tpu.core_type = #tpu.core_type<tc>, window_params = [{transform_indices = @transform_0, window_bounds = array<i64: 4096, 128>}, {transform_indices = @transform_1, window_bounds = array<i64: 4096, 128>}, {pipeline_mode = #tpu.pipeline_mode<synchronous>, transform_indices = @transform_2, window_bounds = array<i64: 256, 256>}, {pipeline_mode = #tpu.pipeline_mode<synchronous>, transform_indices = @transform_3, window_bounds = array<i64: 256, 1>}, {pipeline_mode = #tpu.pipeline_mode<synchronous>, transform_indices = @transform_4, window_bounds = array<i64: 256, 256>}, {pipeline_mode = #tpu.pipeline_mode<synchronous>, transform_indices = @transform_5, window_bounds = array<i64: 256, 1>}, {pipeline_mode = #tpu.pipeline_mode<synchronous>, transform_indices = @transform_6, window_bounds = array<i64: 128, 256>}, {pipeline_mode = #tpu.pipeline_mode<synchronous>, transform_indices = @transform_7, window_bounds = array<i64: 128, 1>}, {pipeline_mode = #tpu.pipeline_mode<synchronous>, transform_indices = @transform_8, window_bounds = array<i64: 64, 128>}, {pipeline_mode = #tpu.pipeline_mode<synchronous>, transform_indices = @transform_9, window_bounds = array<i64: 64, 1>}, {pipeline_mode = #tpu.pipeline_mode<synchronous>, transform_indices = @transform_10, window_bounds = array<i64: 1, 64>}, {pipeline_mode = #tpu.pipeline_mode<synchronous>, transform_indices = @transform_11, window_bounds = array<i64: 1, 1>}, {transform_indices = @transform_12, window_bounds = array<i64: 1, 1, 4096>}]} {
    %get3A = arith.constant 0 : index
    %get3A_0 = arith.constant 0 : index
    %get3A_1 = vector.load %arg3[%get3A, %get3A_0] : memref<256x256xf32, #tpu.memory_space<vmem>>, vector<256x256xf32>
    %convert_element_type3A = arith.truncf %get3A_1 : vector<256x256xf32> to vector<256x256xbf16>
    %get3A_2 = arith.constant 0 : index
    %get3A_3 = arith.constant 0 : index
    %get3A_4 = vector.load %arg1[%get3A_2, %get3A_3] : memref<4096x128xf32, #tpu.memory_space<vmem>>, vector<4096x128xf32>
    %get3A_5 = arith.constant 0 : index
    %get3A_6 = arith.constant 0 : index
    %get3A_7 = vector.load %arg2[%get3A_5, %get3A_6] : memref<4096x128xf32, #tpu.memory_space<vmem>>, vector<4096x128xf32>
    %concatenate3A = tpu.concatenate %get3A_4, %get3A_7 in 1 : vector<4096x128xf32>, vector<4096x128xf32> -> vector<4096x256xf32>
    %convert_element_type3A_8 = arith.truncf %concatenate3A : vector<4096x256xf32> to vector<4096x256xbf16>
    %dot_general3A = arith.constant dense<0.000000e+00> : vector<256x4096xf32>
    %dot_general3A_9 = tpu.matmul %convert_element_type3A, %convert_element_type3A_8, %dot_general3A {dimension_numbers = #tpu.dot_dimension_numbers<[1], [1], [0], [0], [0, 0, 1, 0], [], []>, transpose_lhs_hint = false} : vector<256x256xbf16>, vector<4096x256xbf16>, vector<256x4096xf32> -> vector<256x4096xf32>
    %get3A_10 = arith.constant 0 : index
    %get3A_11 = arith.constant 0 : index
    %get3A_12 = vector.load %arg4[%get3A_10, %get3A_11] : memref<256x1xf32, #tpu.memory_space<vmem>>, vector<256x1xf32>
    %add3A = vector.broadcast %get3A_12 : vector<256x1xf32> to vector<256x4096xf32>
    %add3A_13 = arith.addf %dot_general3A_9, %add3A : vector<256x4096xf32>
    %max3A = arith.constant 0.000000e+00 : f32
    %max3A_14 = vector.broadcast %max3A : f32 to vector<256x4096xf32>
    %max3A_15 = arith.maximumf %add3A_13, %max3A_14 : vector<256x4096xf32>
    %convert_element_type3A_16 = arith.truncf %max3A_15 : vector<256x4096xf32> to vector<256x4096xbf16>
    %get3A_17 = arith.constant 0 : index
    %get3A_18 = arith.constant 0 : index
    %get3A_19 = vector.load %arg5[%get3A_17, %get3A_18] : memref<256x256xf32, #tpu.memory_space<vmem>>, vector<256x256xf32>
    %convert_element_type3A_20 = arith.truncf %get3A_19 : vector<256x256xf32> to vector<256x256xbf16>
    %dot_general3A_21 = arith.constant dense<0.000000e+00> : vector<256x4096xf32>
    %dot_general3A_22 = tpu.matmul %convert_element_type3A_20, %convert_element_type3A_16, %dot_general3A_21 {dimension_numbers = #tpu.dot_dimension_numbers<[1], [0], [0], [1], [0, 0, 1, 1], [], []>, transpose_lhs_hint = false} : vector<256x256xbf16>, vector<256x4096xbf16>, vector<256x4096xf32> -> vector<256x4096xf32>
    %get3A_23 = arith.constant 0 : index
    %get3A_24 = arith.constant 0 : index
    %get3A_25 = vector.load %arg6[%get3A_23, %get3A_24] : memref<256x1xf32, #tpu.memory_space<vmem>>, vector<256x1xf32>
    %add3A_26 = vector.broadcast %get3A_25 : vector<256x1xf32> to vector<256x4096xf32>
    %add3A_27 = arith.addf %dot_general3A_22, %add3A_26 : vector<256x4096xf32>
    %max3A_28 = arith.constant 0.000000e+00 : f32
    %max3A_29 = vector.broadcast %max3A_28 : f32 to vector<256x4096xf32>
    %max3A_30 = arith.maximumf %add3A_27, %max3A_29 : vector<256x4096xf32>
    %convert_element_type3A_31 = arith.truncf %max3A_30 : vector<256x4096xf32> to vector<256x4096xbf16>
    %get3A_32 = arith.constant 0 : index
    %get3A_33 = arith.constant 0 : index
    %get3A_34 = vector.load %arg7[%get3A_32, %get3A_33] : memref<128x256xf32, #tpu.memory_space<vmem>>, vector<128x256xf32>
    %convert_element_type3A_35 = arith.truncf %get3A_34 : vector<128x256xf32> to vector<128x256xbf16>
    %dot_general3A_36 = arith.constant dense<0.000000e+00> : vector<128x4096xf32>
    %dot_general3A_37 = tpu.matmul %convert_element_type3A_35, %convert_element_type3A_31, %dot_general3A_36 {dimension_numbers = #tpu.dot_dimension_numbers<[1], [0], [0], [1], [0, 0, 1, 1], [], []>, transpose_lhs_hint = false} : vector<128x256xbf16>, vector<256x4096xbf16>, vector<128x4096xf32> -> vector<128x4096xf32>
    %get3A_38 = arith.constant 0 : index
    %get3A_39 = arith.constant 0 : index
    %get3A_40 = vector.load %arg8[%get3A_38, %get3A_39] : memref<128x1xf32, #tpu.memory_space<vmem>>, vector<128x1xf32>
    %add3A_41 = vector.broadcast %get3A_40 : vector<128x1xf32> to vector<128x4096xf32>
    %add3A_42 = arith.addf %dot_general3A_37, %add3A_41 : vector<128x4096xf32>
    %max3A_43 = arith.constant 0.000000e+00 : f32
    %max3A_44 = vector.broadcast %max3A_43 : f32 to vector<128x4096xf32>
    %max3A_45 = arith.maximumf %add3A_42, %max3A_44 : vector<128x4096xf32>
    %convert_element_type3A_46 = arith.truncf %max3A_45 : vector<128x4096xf32> to vector<128x4096xbf16>
    %get3A_47 = arith.constant 0 : index
    %get3A_48 = arith.constant 0 : index
    %get3A_49 = vector.load %arg9[%get3A_47, %get3A_48] : memref<64x128xf32, #tpu.memory_space<vmem>>, vector<64x128xf32>
    %convert_element_type3A_50 = arith.truncf %get3A_49 : vector<64x128xf32> to vector<64x128xbf16>
    %dot_general3A_51 = arith.constant dense<0.000000e+00> : vector<64x4096xf32>
    %dot_general3A_52 = tpu.matmul %convert_element_type3A_50, %convert_element_type3A_46, %dot_general3A_51 {dimension_numbers = #tpu.dot_dimension_numbers<[1], [0], [0], [1], [0, 0, 1, 1], [], []>, transpose_lhs_hint = false} : vector<64x128xbf16>, vector<128x4096xbf16>, vector<64x4096xf32> -> vector<64x4096xf32>
    %get3A_53 = arith.constant 0 : index
    %get3A_54 = arith.constant 0 : index
    %get3A_55 = vector.load %arg10[%get3A_53, %get3A_54] : memref<64x1xf32, #tpu.memory_space<vmem>>, vector<64x1xf32>
    %add3A_56 = vector.broadcast %get3A_55 : vector<64x1xf32> to vector<64x4096xf32>
    %add3A_57 = arith.addf %dot_general3A_52, %add3A_56 : vector<64x4096xf32>
    %max3A_58 = arith.constant 0.000000e+00 : f32
    %max3A_59 = vector.broadcast %max3A_58 : f32 to vector<64x4096xf32>
    %max3A_60 = arith.maximumf %add3A_57, %max3A_59 : vector<64x4096xf32>
    %convert_element_type3A_61 = arith.truncf %max3A_60 : vector<64x4096xf32> to vector<64x4096xbf16>
    %get3A_62 = arith.constant 0 : index
    %get3A_63 = arith.constant 0 : index
    %get3A_64 = vector.load %arg11[%get3A_62, %get3A_63] : memref<1x64xf32, #tpu.memory_space<vmem>>, vector<1x64xf32>
    %convert_element_type3A_65 = arith.truncf %get3A_64 : vector<1x64xf32> to vector<1x64xbf16>
    %dot_general3A_66 = arith.constant dense<0.000000e+00> : vector<1x4096xf32>
    %dot_general3A_67 = tpu.matmul %convert_element_type3A_65, %convert_element_type3A_61, %dot_general3A_66 {dimension_numbers = #tpu.dot_dimension_numbers<[1], [0], [0], [1], [0, 0, 1, 1], [], []>, transpose_lhs_hint = false} : vector<1x64xbf16>, vector<64x4096xbf16>, vector<1x4096xf32> -> vector<1x4096xf32>
    %get3A_68 = arith.constant 0 : index
    %get3A_69 = arith.constant 0 : index
    %get3A_70 = vector.load %arg12[%get3A_68, %get3A_69] : memref<1x1xf32, #tpu.memory_space<vmem>>, vector<1x1xf32>
    %add3A_71 = vector.broadcast %get3A_70 : vector<1x1xf32> to vector<1x4096xf32>
    %add3A_72 = arith.addf %dot_general3A_67, %add3A_71 : vector<1x4096xf32>
    %logistic3A = arith.negf %add3A_72 : vector<1x4096xf32>
    %logistic3A_73 = math.exp %logistic3A : vector<1x4096xf32>
    %logistic3A_74 = arith.constant 1.000000e+00 : f32
    %logistic3A_75 = vector.broadcast %logistic3A_74 : f32 to vector<1x4096xf32>
    %logistic3A_76 = arith.addf %logistic3A_75, %logistic3A_73 : vector<1x4096xf32>
    %logistic3A_77 = arith.divf %logistic3A_75, %logistic3A_76 : vector<1x4096xf32>
    %broadcast_in_dim3A = vector.shape_cast %logistic3A_77 : vector<1x4096xf32> to vector<1x1x4096xf32>
    %swap3A = arith.constant 0 : index
    %swap3A_78 = arith.constant 0 : index
    %swap3A_79 = arith.constant 0 : index
    %swap3A_80 = vector.load %arg13[%swap3A, %swap3A_78, %swap3A_79] : memref<1x1x4096xf32, #tpu.memory_space<vmem>>, vector<1x1x4096xf32>
    tpu.vector_store %arg13[%swap3A, %swap3A_78, %swap3A_79], %broadcast_in_dim3A {strides = array<i32>} : memref<1x1x4096xf32, #tpu.memory_space<vmem>>, vector<1x1x4096xf32>,
    return
  }
  func.func @transform_0(%arg0: i32) -> (i32, i32) {
    %c0_i32 = arith.constant 0 : i32
    %c0_i32_0 = arith.constant 0 : i32
    return %arg0, %c0_i32 : i32, i32
  }
  func.func @transform_1(%arg0: i32) -> (i32, i32) {
    %c0_i32 = arith.constant 0 : i32
    %c0_i32_0 = arith.constant 0 : i32
    return %arg0, %c0_i32 : i32, i32
  }
  func.func @transform_2(%arg0: i32) -> (i32, i32) {
    %c0_i32 = arith.constant 0 : i32
    %c0_i32_0 = arith.constant 0 : i32
    %c0_i32_1 = arith.constant 0 : i32
    return %c0_i32, %c0_i32_0 : i32, i32
  }
  func.func @transform_3(%arg0: i32) -> (i32, i32) {
    %c0_i32 = arith.constant 0 : i32
    %c0_i32_0 = arith.constant 0 : i32
    %c0_i32_1 = arith.constant 0 : i32
    return %c0_i32, %c0_i32_0 : i32, i32
  }
  func.func @transform_4(%arg0: i32) -> (i32, i32) {
    %c0_i32 = arith.constant 0 : i32
    %c0_i32_0 = arith.constant 0 : i32
    %c0_i32_1 = arith.constant 0 : i32
    return %c0_i32, %c0_i32_0 : i32, i32
  }
  func.func @transform_5(%arg0: i32) -> (i32, i32) {
    %c0_i32 = arith.constant 0 : i32
    %c0_i32_0 = arith.constant 0 : i32
    %c0_i32_1 = arith.constant 0 : i32
    return %c0_i32, %c0_i32_0 : i32, i32
  }
  func.func @transform_6(%arg0: i32) -> (i32, i32) {
    %c0_i32 = arith.constant 0 : i32
    %c0_i32_0 = arith.constant 0 : i32
    %c0_i32_1 = arith.constant 0 : i32
    return %c0_i32, %c0_i32_0 : i32, i32
  }
  func.func @transform_7(%arg0: i32) -> (i32, i32) {
    %c0_i32 = arith.constant 0 : i32
    %c0_i32_0 = arith.constant 0 : i32
    %c0_i32_1 = arith.constant 0 : i32
    return %c0_i32, %c0_i32_0 : i32, i32
  }
  func.func @transform_8(%arg0: i32) -> (i32, i32) {
    %c0_i32 = arith.constant 0 : i32
    %c0_i32_0 = arith.constant 0 : i32
    %c0_i32_1 = arith.constant 0 : i32
    return %c0_i32, %c0_i32_0 : i32, i32
  }
  func.func @transform_9(%arg0: i32) -> (i32, i32) {
    %c0_i32 = arith.constant 0 : i32
    %c0_i32_0 = arith.constant 0 : i32
    %c0_i32_1 = arith.constant 0 : i32
    return %c0_i32, %c0_i32_0 : i32, i32
  }
  func.func @transform_10(%arg0: i32) -> (i32, i32) {
    %c0_i32 = arith.constant 0 : i32
    %c0_i32_0 = arith.constant 0 : i32
    %c0_i32_1 = arith.constant 0 : i32
    return %c0_i32, %c0_i32_0 : i32, i32
  }
  func.func @transform_11(%arg0: i32) -> (i32, i32) {
    %c0_i32 = arith.constant 0 : i32
    %c0_i32_0 = arith.constant 0 : i32
    %c0_i32_1 = arith.constant 0 : i32
    return %c0_i32, %c0_i32_0 : i32, i32
  }
  func.func @transform_12(%arg0: i32) -> (i32, i32, i32) {
    %c0_i32 = arith.constant 0 : i32
    %c0_i32_0 = arith.constant 0 : i32
    %c0_i32_1 = arith.constant 0 : i32
    return %arg0, %c0_i32, %c0_i32_0 : i32, i32, i32
  }
}

</mosaic_0001>

<sc_bundles>
// kernel: kernel.4.cloned.1.call-start
scs
__scs_entry_jumppad:
0x0: {  	(pc) =	sbr.rel $0x88, $3  }
0x1: {  	(tag) =	ssettag $0x0;
	lr =	simm.s32 $0x1  }
0x2: {  	[smem:$0x3F93] =	sst lr;
	_ =	strace $0xD0000000  }
0x3: {  	_ = 	snop  }
0x4: {  	_ = 	snop  }
0x5: {  	_ = 	snop  }
0x6: {  	_ = 	snop  }
0x7: {  	_ = 	snop  }
__scs_overlays_trampoline_lowered:
0x8: {  	[smem:$0x3FA2] =	sst s0  }
0x9: {  	[smem:$0x3FA3] =	sst s1  }
0xa: {  	[smem:$0x3FA4] =	sst s2  }
0xb: {  	[smem:$0x3FA5] =	sst s3  }
0xc: {  	[smem:$0x3FA6] =	sst s4  }
0xd: {  	[smem:$0x3FA7] =	sst s5  }
0xe: {  	[smem:$0x3FA8] =	sst s6  }
0xf: {  	[smem:$0x3FA9] =	sst s7  }
0x10: {  	[smem:$0x3FAA] =	sst s8  }
0x11: {  	[smem:$0x3FAB] =	sst s9;
	s0 =	simm.s32 @!p0 $0x0  }
0x12: {  	s1 =	sld [smem:$0x3F91];
	s0 =	simm.s32 @p0 $0x1  }
0x13: {  	[smem:$0x3FAC] =	sst s0;
	s0 =	simm.s32 @!p1 $0x0  }
0x14: {  	s2 =	sld [smem:$0x3F90];
	s0 =	simm.s32 @p1 $0x1  }
0x15: {  	[smem:$0x3FAD] =	sst s0;
	s0 =	simm.s32 @!p2 $0x0  }
0x16: {  	s3 =	sld [smem:$0x3FDB];
	s0 =	simm.s32 @p2 $0x1  }
0x17: {  	s4 =	simm.s32 $0x1BF5;
	[smem:$0x3FAF] =	sst s0  }
0x18: {  	s0 =	sld [smem:$0x3F92];
	_ =	swait.ge [sflag:s4], $0x0  }
0x19: {  	s7 =	sld [smem:$0x3F93]  }
0x1a: {  	s8 =	sadd.s32 $0xFFFFE003, lr  }
0x1b: {  	s9 =	sadd.s32 $0xFFFFFEF7, lr;
	s5 =	simm.s32 $0xFFFFFFFF;
	p2 =	slt.u32 s8, $0xFFFFF086  }
0x1c: {  	p1 =	slt.u32 s9, $0xF7A;
	s5 =	simm.s32 @!p2 $0x0  }
0x1d: {  	s5 =	simm.s32 @p1 $0x1;
	p0 =	seq.s32 s7, s2  }
0x1e: {  	s7 =	smul.u32 @!p0 $0xF7A, s2;
	p2 =	seq.s32 @!p0 s5, $0x0  }
0x1f: {  	s9 =	smul.u32 $0xF7A, s1;
	s8 =	simm.s32 @!p0 $0x1BF5;
	p2 =	por !p2, p0  }
0x20: {  	[sflag:s8] =	ssyncset.s32 @!p0 $0xFFFFF086;
	s6 =	sadd.s32 @!p0 s3, s7;
	s7 =	simm.s32 @!p0 $0x108  }
0x21: {  	s3 =	sadd.s32 s3, s9;
	s6 =	sadd.s32 @!p0 $0x88, s6;
	s7 =	simm.s32 @p2 $0x1082  }
0x22: {  	[simem:s7], [sflag:s8] =	dma.local @!p0 [hbm:s6], $0xF7A  }
0x23: {  	s9 =	sor.u32 $0xD0000000, s2;
	s6 =	simm.s32 $0x108;
	_ =	swait.ge @!p0 [sflag:s8], $0x0  }
0x24: {  	s3 =	sadd.s32 $0x88, s3;
	s6 =	simm.s32 @!p1 $0x1082;
	[sflag:s4] =	ssyncset.s32 $0xFFFFF086  }
0x25: {  	[simem:s6], [sflag:s4] =	dma.local [hbm:s3], $0xF7A  }
0x26: {  	[smem:$0x3F93] =	sst s1;
	(tag) =	ssettag s2;
	_ =	strace s9  }
0x27: {  	s1 =	sld [smem:$0x3FA3]  }
0x28: {  	s2 =	sld [smem:$0x3FA4]  }
0x29: {  	s4 =	sld [smem:$0x3FA6]  }
0x2a: {  	p0 =	seq.s32 s5, $0x0;
	s5 =	sld [smem:$0x3FA7]  }
0x2b: {  	s6 =	sld [smem:$0x3FA8]  }
0x2c: {  	s7 =	sld [smem:$0x3FA9]  }
0x2d: {  	s3 =	simm.s32 $0x108;
	s8 =	sld [smem:$0x3FAA]  }
0x2e: {  	s3 =	simm.s32 @!p0 $0x1082;
	s9 =	sld [smem:$0x3FAB]  }
0x2f: {  	lr =	sadd.s32 s0, s3;
	s0 =	sld [smem:$0x3FA2]  }
0x30: {  	s3 =	sld [smem:$0x3FA5]  }
0x31: {  	[smem:$0x3FAE] =	sst s10  }
0x32: {  	s10 =	sld [smem:$0x3FAC];
	_ =	sdelay $0x3  }
0x33: {  	p0 =	seq.s32 s10, $0x1;
	s10 =	sld [smem:$0x3FAE];
	_ =	sdelay $0x3  }
0x34: {  	[smem:$0x3FAE] =	sst s10  }
0x35: {  	s10 =	sld [smem:$0x3FAD];
	_ =	sdelay $0x3  }
0x36: {  	p1 =	seq.s32 s10, $0x1;
	s10 =	sld [smem:$0x3FAE];
	_ =	sdelay $0x3  }
0x37: {  	[smem:$0x3FAE] =	sst s10  }
0x38: {  	s10 =	sld [smem:$0x3FAF]  }
0x39: {  	_ = 	snop;
	(pc) =	sbr.ind lr, $3  }
0x3a: {  	_ = 	snop  }
0x3b: {  	_ = 	snop  }
0x3c: {  	p2 =	seq.s32 s10, $0x1;
	s10 =	sld [smem:$0x3FAE]  }
0x3d: {  	_ =	shalt  }
0x3e: {  	_ =	shalt  }
0x3f: {  	_ =	shalt  }
0x40: {  	_ =	shalt  }
0x41: {  	_ =	shalt  }
0x42: {  	_ =	shalt  }
0x43: {  	_ =	shalt  }
0x44: {  	_ =	shalt  }
0x45: {  	_ =	shalt  }
0x46: {  	_ =	shalt  }
0x47: {  	_ =	shalt  }
0x48: {  	_ =	shalt  }
0x49: {  	_ =	shalt  }
0x4a: {  	_ =	shalt  }
0x4b: {  	_ =	shalt  }
0x4c: {  	_ =	shalt  }
0x4d: {  	_ =	shalt  }
0x4e: {  	_ =	shalt  }
0x4f: {  	_ =	shalt  }
0x50: {  	_ =	shalt  }
0x51: {  	_ =	shalt  }
0x52: {  	_ =	shalt  }
0x53: {  	_ =	shalt  }
0x54: {  	_ =	shalt  }
0x55: {  	_ =	shalt  }
0x56: {  	_ =	shalt  }
0x57: {  	_ =	shalt  }
0x58: {  	_ =	shalt  }
0x59: {  	_ =	shalt  }
0x5a: {  	_ =	shalt  }
0x5b: {  	_ =	shalt  }
0x5c: {  	_ =	shalt  }
0x5d: {  	_ =	shalt  }
0x5e: {  	_ =	shalt  }
0x5f: {  	_ =	shalt  }
0x60: {  	_ =	shalt  }
0x61: {  	_ =	shalt  }
0x62: {  	_ =	shalt  }
0x63: {  	_ =	shalt  }
0x64: {  	_ =	shalt  }
0x65: {  	_ =	shalt  }
0x66: {  	_ =	shalt  }
0x67: {  	_ =	shalt  }
0x68: {  	_ =	shalt  }
0x69: {  	_ =	shalt  }
0x6a: {  	_ =	shalt  }
0x6b: {  	_ =	shalt  }
0x6c: {  	_ =	shalt  }
0x6d: {  	_ =	shalt  }
0x6e: {  	_ =	shalt  }
0x6f: {  	_ =	shalt  }
0x70: {  	_ =	shalt  }
0x71: {  	_ =	shalt  }
0x72: {  	_ =	shalt  }
0x73: {  	_ =	shalt  }
0x74: {  	_ =	shalt  }
0x75: {  	_ =	shalt  }
0x76: {  	_ =	shalt  }
0x77: {  	_ =	shalt  }
0x78: {  	_ =	shalt  }
0x79: {  	_ =	shalt  }
0x7a: {  	_ =	shalt  }
0x7b: {  	_ =	shalt  }
0x7c: {  	_ =	shalt  }
0x7d: {  	_ =	shalt  }
0x7e: {  	_ =	shalt  }
0x7f: {  	_ =	shalt  }
0x80: {  	_ =	shalt  }
0x81: {  	_ =	shalt  }
0x82: {  	_ =	shalt  }
0x83: {  	_ =	shalt  }
0x84: {  	_ =	shalt  }
0x85: {  	_ =	shalt  }
0x86: {  	_ =	shalt  }
0x87: {  	_ =	shalt  }
.Lfunc_end0:
.L_simem_size_0:
called_computation_lowered:
.L_overlay_start_0:
0x88: {  	s2 =	sld [smem:$0x3FD9]  }
0x89: {  	s3 =	sld [smem:$0x3FFE];
	_ =	sdelay $0x1  }
0x8a: {  	s1 =	srdreg.scid  }
0x8b: {  	s0 =	sand.u32 $0x1, s1  }
0x8c: {  	s17 =	sshll.u32 s0, $0xA;
	s2 =	sadd.s32 s3, s2  }
0x8d: {  	s2 =	sadd.s32 s2, s17  }
0x8e: {  	[smem:$0x3FBA] =	sst s2  }
0x8f: {  	_ = 	snop  }
0x90: {  	s2 =	sld [smem:$0x3FC9]  }
0x91: {  	s18 =	sld [smem:$0x3FC8]  }
0x92: {  	s4 =	sld [smem:$0x3FC7]  }
0x93: {  	s5 =	sld [smem:$0x3FC6];
	(tm) =	ssettm $0x1  }
0x94: {  	s6 =	sld [smem:$0x3FFB];
	_ =	sdelay $0x3  }
0x95: {  	_ =	strace s6  }
0x96: {  	s6 =	sld [smem:$0x3FFC];
	_ =	sdelay $0x3  }
0x97: {  	_ =	strace s6  }
0x98: {  	s6 =	sld [smem:$0x3FFD];
	_ =	sdelay $0x3  }
0x99: {  	_ =	strace s6  }
0x9a: {  	_ =	strace $0x8FFFFFFF  }
0x9b: {  	s19 =	sld [smem:$0x3FDB];
	_ =	sdelay $0x1  }
0x9c: {  	s7 =	simm.s32 $_scs_section_size  }
0x9d: {  	s8 =	simm.s32 $_size__tile_overlayer_lowered;
	s9 =	simm.s32 $_tile_overlayer_lowered  }
0x9e: {  	s22 =	simm.s32 $0x1BFF;
	s21 =	sshll.u32 s9, $0x1;
	s6 =	sadd.s32 s7, s19  }
0x9f: {  	s10 =	simm.s32 $0x0;
	s20 =	sshll.u32 s8, $0x1;
	s8 =	sadd.s32 s21, s6  }
0xa0: {  	[timem:s10], [sflag:s22] =	dma.local [hbm:s8], s20  }
0xa1: {  	_ =	swait.ge [sflag:s22], s20  }
0xa2: {  	s7 =	ssub.s32 $0x0, s20;
	[sflag:s22] =	ssyncset.done $0x0  }
0xa3: {  	[sflag:s22] =	ssyncadd.s32 s7;
	_ =	sdelay $0x1  }
0xa4: {  	s23 =	simm.s32 $0x1B8B  }
0xa5: {  	_ =	swait.ge [sflag:s23], $0x1  }
0xa6: {  	[sflag:s23] =	ssyncset.done $0x0  }
0xa7: {  	s25 =	simm.s32 $0x1B8E;
	s24 =	sld [smem:$0x3FFE];
	[sflag:s23] =	ssyncadd.s32 $0xFFFFFFFF  }
0xa8: {  	s26 =	simm.s32 $execute0_lowered;
	[smem:$0x3FD2] =	sst s25  }
0xa9: {  	s8 =	sshll.u32 s26, $0x1;
	_ =	strace $0x80000046;
	[dreg:$0x1] =	wrdreg $0xFFFFFFFF  }
0xaa: {  	s28 =	simm.s32 $_size_execute0_lowered;
	s6 =	sadd.s32 s6, s8;
	[dreg:$0x0] =	wrdreg $0x0  }
0xab: {  	s8 =	sshll.u32 s28, $0x1;
	[dreg:$0x2] =	wrdreg s6  }
0xac: {  	[dreg:$0x3] =	wrdreg s8  }
0xad: {  	[dreg:$0x4] =	wrdreg $0xC0  }
0xae: {  	_ =	task [dreg:s10], $0x5FFFF  }
0xaf: {  	[dreg:$0x1] =	wrdreg $0xFFFFFFFF  }
0xb0: {  	[dreg:$0x0] =	wrdreg $0x60  }
0xb1: {  	[dreg:$0x2] =	wrdreg s4  }
0xb2: {  	[dreg:$0x3] =	wrdreg s5  }
0xb3: {  	[dreg:$0x4] =	wrdreg s2  }
0xb4: {  	[dreg:$0x5] =	wrdreg s18  }
0xb5: {  	[dreg:$0x6] =	wrdreg s24  }
0xb6: {  	[dreg:$0x7] =	wrdreg $0x9  }
0xb7: {  	_ =	task.clear_ibuf [dreg:s10], $0x8FFFF;
	_ =	strace $0x90000046  }
0xb8: {  	s29 =	simm.s32 $0x9;
	_ =	strace $0x80000048  }
0xb9: {  	_ =	swait.ge [sflag:s29], $0x1  }
0xba: {  	[sflag:s29] =	ssyncadd.s32 $0xFFFFFFFF  }
0xbb: {  	_ =	strace $0x90000048  }
0xbc: {  	_ =	sfence  }
0xbd: {  	s30 =	sld [smem:$0x0];
	_ =	sdelay $0x2  }
0xbe: {  	s31 =	sshll.u32 s1, $0xD;
	s1 =	sshrl.u32 s1, $0x2  }
0xbf: {  	s3 =	sand.u32 $0x4000, s31;
	s1 =	sadd.s32 s1, s30  }
0xc0: {  	s0 =	sor.u32 s3, s0;
	s1 =	sshll.u32 s1, $0x11  }
0xc1: {  	s0 =	sor.u32 s1, s0  }
0xc2: {  	s0 =	sadd.s32 $0x8F2B, s0  }
0xc3: {  	[sflag:s0] =	ssyncadd.remote.s32 $0x1  }
0xc4: {  	_ =	sfence.sel $0xFFFF  }
0xc5: {  	[dreg:$0x0] =	wrdreg $0xFFFFFFFF;
	(pc) =	sbr.abs _section_cstart, $3  }
0xc6: {  	[dreg:$0x1] =	wrdreg $0xFFFFFFFF  }
0xc7: {  	_ =	task.clear_ibuf [dreg:s10], $0x2FFFF;
	_ =	strace $0x9FFFFFFF  }
0xc8: {  	(tm) =	ssettm $0x7FFFFFFF  }
0xc9: {  	_ =	shalt  }
tec
execute0_lowered:
.L_overlay_start_1:
0x0: {  	(tag) =	ssettag $0x1  }
0x1: {  	s1 =	rddreg [dreg:$0x0]  }
0x2: {  	s2 =	rddreg [dreg:$0x1]  }
0x3: {  	s5 =	rddreg [dreg:$0x2];
	s3 =	srdreg.scid  }
0x4: {  	s10 =	rddreg [dreg:$0x3];
	s0 =	stileid.u32;
	s11 =	sand.u32 $0x1, s3  }
0x5: {  	s9 =	rddreg [dreg:$0x4];
	s6 =	sshll.u32 s0, $0xA;
	s7 =	sshll.u32 s11, $0x9  }
0x6: {  	s4 =	simm.s32 $0x0;
	s3 =	rddreg [dreg:$0x5];
	s12 =	sor.u32 s7, s6  }
0x7: {  	[smem:$0x7FF] =	sst s4;
	s13 =	sshrl.u32 s12, $0x3  }
0x8: {  	_ =	strace $0x80000047;
	s6 =	sadd.s32 s5, s13;
	s5 =	simm.s32 $0x2  }
0x9: {  	[tilespmem:s4], [sflag:$0x2] =	stream.linear.gather [hbm4b:s6+s4], $0x200, $0x38;
	[tilespmem:$0x10200] =	vst v63  }
0xa: {  	_ =	swait.ge [sflag:s5], $0x200  }
0xb: {  	[sflag:s5] =	ssyncset.done $0x0  }
0xc: {  	s8 =	simm.s32 $0x1;
	s7 =	simm.s32 $0x200;
	[sflag:s5] =	ssyncadd.s32 $0xFFFFFE00  }
0xd: {  	[tilespmem:s7], [sflag:$0x1] =	stream.indirect.gather [hbm4b:s1+s7], $0x80, s4, s7, $0xb8;
	[tilespmem:$0x10200] =	vst v63  }
0xe: {  	s12 =	sshll.u32 s12, $0x4;
	_ =	swait.ge [sflag:s8], $0x10000  }
0xf: {  	s12 =	sadd.s32 s12, s9;
	[sflag:s8] =	ssyncset.done $0x0  }
0x10: {  	s9 =	sadd.s32 $0x1E00, s12;
	[sflag:s8] =	ssyncadd.s32 $0xFFFF0000  }
0x11: {  	[hbm4b:s9+s4] =	stream.linear.scatter [tilespmem:s7], [sflag:$0x2], $0x10000, $0x38;
	[tilespmem:$0x10200] =	vst v63  }
0x12: {  	_ =	swait.ge [sflag:s5], $0x10000  }
0x13: {  	[sflag:s5] =	ssyncset.done $0x0  }
0x14: {  	s11 =	ssub.s32 $0x2, s11;
	s10 =	sadd.s32 s10, s13;
	[sflag:s5] =	ssyncadd.s32 $0xFFFF0000  }
0x15: {  	[tilespmem:s4], [sflag:$0x2] =	stream.linear.gather [hbm4b:s10+s4], $0x200, $0x38;
	[tilespmem:$0x10200] =	vst v63  }
0x16: {  	s30 =	sshrl.u32 s11, $0x1;
	_ =	swait.ge [sflag:s5], $0x200  }
0x17: {  	s13 =	ssub.s32 s11, s30;
	[sflag:s5] =	ssyncset.done $0x0  }
0x18: {  	s31 =	smax.u32 s13, $0x1;
	[sflag:s5] =	ssyncadd.s32 $0xFFFFFE00  }
0x19: {  	[tilespmem:s7], [sflag:$0x1] =	stream.indirect.gather [hbm4b:s2+s7], $0x80, s4, s7, $0xb8;
	[tilespmem:$0x10200] =	vst v63  }
0x1a: {  	p0 =	sne.s32 s31, $0x1;
	_ =	swait.ge [sflag:s8], $0x10000  }
.Ltmp0:
0x1b: {  	[sflag:s8] =	ssyncset.done $0x0;
	(pc) =	sbr.rel @!p0 .LBB2_2-.Ltmp0, $4  }
0x1c: {  	s11 =	sadd.s32 $0x41E00, s12;
	[sflag:s8] =	ssyncadd.s32 $0xFFFF0000  }
0x1d: {  	[hbm4b:s11+s4] =	stream.linear.scatter [tilespmem:s7], [sflag:$0x2], $0x10000, $0x38;
	[tilespmem:$0x10200] =	vst v63  }
0x1e: {  	_ =	swait.ge [sflag:s5], $0x10000  }
0x1f: {  	s12 =	sadd.s32 $0xFFFFFFFF, s31;
	[sflag:s5] =	ssyncset.done $0x0  }
.LBB2_1:
0x20: {  	p0 =	sne.s32 s12, $0x1;
	s12 =	sadd.s32 $0xFFFFFFFF, s12;
	[sflag:s5] =	ssyncadd.s32 $0xFFFF0000  }
0x21: {  	[tilespmem:s4], [sflag:$0x2] =	stream.linear.gather [hbm4b:s6+s4], $0x200, $0x38;
	[tilespmem:$0x10200] =	vst v63  }
0x22: {  	_ =	swait.ge [sflag:s5], $0x200  }
0x23: {  	[sflag:s5] =	ssyncset.done $0x0  }
0x24: {  	[sflag:s5] =	ssyncadd.s32 $0xFFFFFE00  }
0x25: {  	[tilespmem:s7], [sflag:$0x1] =	stream.indirect.gather [hbm4b:s1+s7], $0x80, s4, s7, $0xb8;
	[tilespmem:$0x10200] =	vst v63  }
0x26: {  	_ =	swait.ge [sflag:s8], $0x10000  }
0x27: {  	[sflag:s8] =	ssyncset.done $0x0  }
0x28: {  	[sflag:s8] =	ssyncadd.s32 $0xFFFF0000  }
0x29: {  	[hbm4b:s9+s4] =	stream.linear.scatter [tilespmem:s7], [sflag:$0x2], $0x10000, $0x38;
	[tilespmem:$0x10200] =	vst v63  }
0x2a: {  	_ =	swait.ge [sflag:s5], $0x10000  }
0x2b: {  	[sflag:s5] =	ssyncset.done $0x0  }
0x2c: {  	[sflag:s5] =	ssyncadd.s32 $0xFFFF0000  }
0x2d: {  	[tilespmem:s4], [sflag:$0x2] =	stream.linear.gather [hbm4b:s10+s4], $0x200, $0x38;
	[tilespmem:$0x10200] =	vst v63  }
0x2e: {  	_ =	swait.ge [sflag:s5], $0x200  }
0x2f: {  	[sflag:s5] =	ssyncset.done $0x0  }
0x30: {  	[sflag:s5] =	ssyncadd.s32 $0xFFFFFE00  }
0x31: {  	[tilespmem:s7], [sflag:$0x1] =	stream.indirect.gather [hbm4b:s2+s7], $0x80, s4, s7, $0xb8;
	[tilespmem:$0x10200] =	vst v63  }
0x32: {  	_ =	swait.ge [sflag:s8], $0x10000  }
.Ltmp1:
0x33: {  	[sflag:s8] =	ssyncset.done $0x0;
	(pc) =	sbr.rel @p0 .LBB2_1-.Ltmp1, $4  }
0x34: {  	[sflag:s8] =	ssyncadd.s32 $0xFFFF0000  }
0x35: {  	[hbm4b:s11+s4] =	stream.linear.scatter [tilespmem:s7], [sflag:$0x2], $0x10000, $0x38;
	[tilespmem:$0x10200] =	vst v63  }
0x36: {  	_ =	swait.ge [sflag:s5], $0x10000  }
0x37: {  	[sflag:s5] =	ssyncset.done $0x0  }
.LBB2_2:
0x38: {  	[sflag:s5] =	ssyncadd.s32 $0xFFFF0000  }
0x39: {  	_ =	sfence.sel $0x180000  }
0x3a: {  	[bflag:$0x0] =	sbarrier.arrive $0xFFFF  }
0x3b: {  	p0 =	sne.s32 s0, $0x0;
	_ =	strace $0x90000047  }
0x3c: {  	s0 =	sadd.s32 @!p0 $0x100000, s3;
	[bflag:$0x2] =	sbarrier.arrive $0xFFFF  }
0x3d: {  	[sflag:s0] =	ssyncadd.tile.s32 @!p0 $0x1;
	_ =	shalt  }
.Lfunc_end2:
_tile_overlayer_lowered:
.L_overlay_start_2:
0x3e: {  	(tag) =	ssettag $0x2  }
0x3f: {  	s0 =	rddreg [dreg:$0x0];
	s2 =	stileid.u32  }
0x40: {  	s1 =	rddreg [dreg:$0x1];
	p0 =	sne.s32 s2, $0x0  }
0x41: {  	s3 =	rddreg [dreg:$0x2];
	[bflag:$0x3] =	sbarrier.arrive $0xFFFF;
	s2 =	simm.s32 @!p0 $0x1C02  }
0x42: {  	[timem:s3], [sflag:s2] =	dma.local @!p0 [hbm:s0], s1  }
0x43: {  	s0 =	simm.s32 @!p0 $0x2  }
0x44: {  	_ =	swait.ge @!p0 [sflag:s0], s1  }
0x45: {  	s1 =	ssub.s32 @!p0 $0x0, s1;
	[sflag:s0] =	ssyncset.done @!p0 $0x0  }
0x46: {  	[sflag:s0] =	ssyncadd.s32 @!p0 s1  }
0x47: {  	[bflag:$0x3] =	sbarrier.arrive $0xFFFF  }
0x48: {  	_ =	shalt  }

</sc_bundles>
